<compile_context>
chip_gen: v7x
topology: tpu7x:2x2x1
jax: 0.10.2.dev20260603
libtpu: 0.0.44.dev20260713+nightly
codegen_flags: <defaults>
</compile_context>

<pallas_src>
import functools

import jax
import jax.numpy as jnp
from jax import lax
from jax.experimental import pallas as pl
from jax.experimental.pallas import tpu as pltpu
from jax.experimental.pallas import tpu_sc as plsc

NUM_EXPERTS = 64
TOP_K = 8
HIDDEN_SIZE = 2048
NUM_TOKENS = 16384

BT = 1024

NW = 32
RPW = NUM_TOKENS // NW


def _probs_body(h_ref, p_ref, o_ref):
    h = h_ref[...]
    p = p_ref[...]
    hn = jnp.maximum(jnp.sqrt(jnp.sum(h * h, axis=1, keepdims=True)), 1e-12)
    pn = jnp.maximum(jnp.sqrt(jnp.sum(p * p, axis=1, keepdims=True)), 1e-12)
    hb = (h / hn).astype(jnp.bfloat16)
    pb = (p / pn).astype(jnp.bfloat16)
    logits = jax.lax.dot_general(
        hb, pb, (((1,), (1,)), ((), ())), preferred_element_type=jnp.float32
    )
    m = jnp.max(logits, axis=1, keepdims=True)
    e = jnp.exp(logits - m)
    o_ref[...] = e / jnp.sum(e, axis=1, keepdims=True)


def _perm16(x, idx):
    dn = lax.GatherDimensionNumbers(
        offset_dims=(), collapsed_slice_dims=(0,), start_index_map=(0,)
    )
    return lax.gather(
        x, idx[:, None], dn, (1,), mode=lax.GatherScatterMode.PROMISE_IN_BOUNDS
    )


def _make_sc_topk():
    mesh = plsc.VectorSubcoreMesh(core_axis_name="c", subcore_axis_name="s")

    @functools.partial(
        pl.kernel,
        mesh=mesh,
        compiler_params=pltpu.CompilerParams(needs_layout_passes=False),
        out_type=[
            jax.ShapeDtypeStruct((NUM_TOKENS * TOP_K,), jnp.float32),
            jax.ShapeDtypeStruct((NUM_TOKENS * TOP_K,), jnp.int32),
        ],
        scratch_types=[
            pltpu.VMEM((RPW * NUM_EXPERTS,), jnp.float32),
            pltpu.VMEM((RPW * TOP_K,), jnp.float32),
            pltpu.VMEM((RPW * TOP_K,), jnp.int32),
        ],
    )
    def sc_topk(probs_hbm, w_hbm, i_hbm, probs_v, w_v, i_v):
        wid = lax.axis_index("s") * 2 + lax.axis_index("c")
        pltpu.sync_copy(
            probs_hbm.at[pl.ds(wid * (RPW * NUM_EXPERTS), RPW * NUM_EXPERTS)],
            probs_v,
        )

        lane = lax.iota(jnp.int32, 16)
        low8 = lane < 8
        rot8 = jnp.bitwise_and(lane + 8, 15)

        def topk_row(off):
            ks, vs = [], []
            for j in range(4):
                kj = probs_v[pl.ds(off + 16 * j, 16)]
                vj = lane + 16 * j
                kj, vj = plsc.sort_key_val(kj, vj, descending=True)
                ks.append(kj)
                vs.append(vj)

            def merge(ak, av, bk, bv):
                bk = lax.rev(bk, (0,))
                bv = lax.rev(bv, (0,))
                mk = jnp.where(low8, ak, bk)
                mv = jnp.where(low8, av, bv)
                return plsc.sort_key_val(mk, mv, descending=True)

            k01, v01 = merge(ks[0], vs[0], ks[1], vs[1])
            k23, v23 = merge(ks[2], vs[2], ks[3], vs[3])
            return merge(k01, v01, k23, v23)

        def pair(rp, _):
            ka, va = topk_row(rp * (2 * NUM_EXPERTS))
            kb, vb = topk_row(rp * (2 * NUM_EXPERTS) + NUM_EXPERTS)
            w_v[pl.ds(rp * 16, 16)] = jnp.where(low8, ka, _perm16(kb, rot8))
            i_v[pl.ds(rp * 16, 16)] = jnp.where(low8, va, _perm16(vb, rot8))
            return 0

        lax.fori_loop(0, RPW // 2, pair, 0)

        pltpu.sync_copy(w_v, w_hbm.at[pl.ds(wid * (RPW * TOP_K), RPW * TOP_K)])
        pltpu.sync_copy(i_v, i_hbm.at[pl.ds(wid * (RPW * TOP_K), RPW * TOP_K)])

    return sc_topk


_sc_topk = _make_sc_topk()


@jax.jit
def kernel(hidden_states, proto):
    grid = (NUM_TOKENS // BT,)
    probs = pl.pallas_call(
        _probs_body,
        grid=grid,
        in_specs=[
            pl.BlockSpec((BT, HIDDEN_SIZE), lambda t: (t, 0)),
            pl.BlockSpec((NUM_EXPERTS, HIDDEN_SIZE), lambda t: (0, 0)),
        ],
        out_specs=pl.BlockSpec((BT, NUM_EXPERTS), lambda t: (t, 0)),
        out_shape=jax.ShapeDtypeStruct((NUM_TOKENS, NUM_EXPERTS), jnp.float32),
    )(hidden_states, proto)
    w_flat, i_flat = _sc_topk(probs.reshape(-1))
    return (
        w_flat.reshape(NUM_TOKENS, TOP_K),
        i_flat.reshape(NUM_TOKENS, TOP_K),
    )

# --- scband reference (transcript-rebuilt; emitter-appended) ---
"""Pipeline reference for scband-cprrouter-28003186770655 (READ-ONLY COPY).

The authoritative reference and input builder live on the scoring server;
editing this copy changes nothing except your own understanding.
"""

import jax, jax.numpy as jnp
import numpy as np

NUM_EXPERTS = 64
TOP_K = 8
HIDDEN_SIZE = 2048
NUM_TOKENS = 16384

def setup_inputs(seed: int = 0) -> dict:
    key = jax.random.key(seed)
    k1, k2 = jax.random.split(key)
    hidden_states = jax.random.normal(k1, (NUM_TOKENS, HIDDEN_SIZE), dtype=jnp.float32)
    proto = jax.random.normal(k2, (NUM_EXPERTS, HIDDEN_SIZE), dtype=jnp.float32) * 0.02
    return {"hidden_states": hidden_states, "proto": proto}

def _l2_normalize(x, axis, eps=1e-12):
    norm = jnp.linalg.norm(x, ord=2, axis=axis, keepdims=True)
    return x / jnp.maximum(norm, eps)

def reference(hidden_states, proto):
    normalized_hidden_states = _l2_normalize(hidden_states, axis=1)
    normalized_proto = _l2_normalize(proto, axis=1)
    router_logits = jnp.matmul(normalized_hidden_states, normalized_proto.T)
    routing_weights = jax.nn.softmax(router_logits.astype(jnp.float32), axis=1)
    routing_weights, selected_experts = jax.lax.top_k(routing_weights, TOP_K)
    return (routing_weights, selected_experts)

if __name__ == "__main__":
    import jax
    _d = setup_inputs()
    print(jax.jit(kernel)(*tuple(_d.values())))

</pallas_src>

<mosaic_0001>
#map = affine_map<(d0, d1) -> (0)>
module attributes {stable_mosaic.version = 14 : i64} {
  func.func @sc_topk(%arg0: i32, %arg1: i32, %arg2: memref<1048576xf32, #tpu.memory_space<hbm>>, %arg3: memref<131072xf32, #tpu.memory_space<hbm>>, %arg4: memref<131072xi32, #tpu.memory_space<hbm>>, %arg5: memref<32768xf32, #tpu.memory_space<vmem>>, %arg6: memref<4096xf32, #tpu.memory_space<vmem>>, %arg7: memref<4096xi32, #tpu.memory_space<vmem>>) attributes {dimension_semantics = [#tpu.dimension_semantics<core_parallel>, #tpu.dimension_semantics<subcore_parallel>], iteration_bounds = array<i64: 2, 16>, scalar_prefetch = 0 : i64, scratch_operands = 3 : i64, tpu.core_type = #tpu.core_type<sc_vector_subcore>, window_params = [{transform_indices = #map}, {transform_indices = #map}, {transform_indices = #map}]} {
    %mul3A = arith.constant 2 : i32
    %mul3A_0 = arith.muli %arg1, %mul3A : i32
    %add3A = arith.addi %mul3A_0, %arg0 : i32
    %mul3A_1 = arith.constant 32768 : i32
    %mul3A_2 = arith.muli %add3A, %mul3A_1 : i32
    "tpu.region"() ({
      %run_scoped3A = tpu.sem_alloc : memref<!tpu.dma_semaphore, #tpu.memory_space<semaphore_mem>>
      %dma_start3A = tpu.memref_slice %arg2[%mul3A_2] : memref<1048576xf32, #tpu.memory_space<hbm>> -> memref<32768xf32, #tpu.memory_space<hbm>>
      %dma_start3A_20 = tpu.memref_slice %arg2[%mul3A_2] : memref<1048576xf32, #tpu.memory_space<hbm>> -> memref<32768xf32, #tpu.memory_space<hbm>>
      tpu.enqueue_dma source(%dma_start3A_20 : memref<32768xf32, #tpu.memory_space<hbm>>) target(%arg5 : memref<32768xf32, #tpu.memory_space<vmem>>) target_semaphore(%run_scoped3A : memref<!tpu.dma_semaphore, #tpu.memory_space<semaphore_mem>>)
      %dma_wait3A = tpu.memref_slice %arg2[%mul3A_2] : memref<1048576xf32, #tpu.memory_space<hbm>> -> memref<32768xf32, #tpu.memory_space<hbm>>
      %dma_wait3A_21 = tpu.memref_slice %arg2[%mul3A_2] : memref<1048576xf32, #tpu.memory_space<hbm>> -> memref<32768xf32, #tpu.memory_space<hbm>>
      tpu.wait_dma2 semaphore(%run_scoped3A : memref<!tpu.dma_semaphore, #tpu.memory_space<semaphore_mem>>) src(%dma_wait3A_21 : memref<32768xf32, #tpu.memory_space<hbm>>) dst(%arg5 : memref<32768xf32, #tpu.memory_space<vmem>>)
      tpu.yield
    }) : () -> ()
    %iota3A = tpu.iota {dimensions = array<i32: 0>} : vector<16xi32>
    %lt3A = arith.constant 8 : i32
    %lt3A_3 = vector.broadcast %lt3A : i32 to vector<16xi32>
    %lt3A_4 = arith.cmpi slt, %iota3A, %lt3A_3 : vector<16xi32>
    %add3A_5 = arith.constant 8 : i32
    %add3A_6 = vector.broadcast %add3A_5 : i32 to vector<16xi32>
    %add3A_7 = arith.addi %iota3A, %add3A_6 : vector<16xi32>
    %and3A = arith.constant 15 : i32
    %and3A_8 = vector.broadcast %and3A : i32 to vector<16xi32>
    %and3A_9 = arith.andi %add3A_7, %and3A_8 : vector<16xi32>
    %scan3A = arith.constant 0 : i32
    %scan3A_10 = arith.constant 0 : i32
    %scan3A_11 = arith.constant 256 : i32
    %scan3A_12 = arith.addi %scan3A_10, %scan3A_11 : i32
    %scan3A_13 = arith.constant 1 : i32
    %scan3A_14 = scf.for %scan3A_20 = %scan3A_10 to %scan3A_12 step %scan3A_13 iter_args(%scan3A_21 = %scan3A) -> (i32)  : i32 {
      %mul3A_22 = arith.constant 128 : i32
      %mul3A_23 = arith.muli %scan3A_20, %mul3A_22 : i32
      %add3A_24 = arith.constant 0 : i32
      %add3A_25 = arith.addi %mul3A_23, %add3A_24 : i32
      %get3A = arith.index_cast %add3A_25 : i32 to index
      %get3A_26 = tpu.vector_load %arg5[%get3A] {strides = array<i32>} : memref<32768xf32, #tpu.memory_space<vmem>>, vector<16xf32>,
      %add3A_27 = arith.constant 0 : i32
      %add3A_28 = vector.broadcast %add3A_27 : i32 to vector<16xi32>
      %add3A_29 = arith.addi %iota3A, %add3A_28 : vector<16xi32>
      %masked_sort3A = arith.constant dense<true> : vector<16xi1>
      %masked_sort3A_30, %masked_sort3A_31, %masked_sort3A_32 = tpu.sort %get3A_26, %add3A_29 masked %masked_sort3A {descending = true} : (vector<16xf32>, vector<16xi32>, vector<16xi1>) -> (vector<16xi1>, vector<16xf32>, vector<16xi32>)
      %add3A_33 = arith.constant 16 : i32
      %add3A_34 = arith.addi %mul3A_23, %add3A_33 : i32
      %get3A_35 = arith.index_cast %add3A_34 : i32 to index
      %get3A_36 = tpu.vector_load %arg5[%get3A_35] {strides = array<i32>} : memref<32768xf32, #tpu.memory_space<vmem>>, vector<16xf32>,
      %add3A_37 = arith.constant 16 : i32
      %add3A_38 = vector.broadcast %add3A_37 : i32 to vector<16xi32>
      %add3A_39 = arith.addi %iota3A, %add3A_38 : vector<16xi32>
      %masked_sort3A_40 = arith.constant dense<true> : vector<16xi1>
      %masked_sort3A_41, %masked_sort3A_42, %masked_sort3A_43 = tpu.sort %get3A_36, %add3A_39 masked %masked_sort3A_40 {descending = true} : (vector<16xf32>, vector<16xi32>, vector<16xi1>) -> (vector<16xi1>, vector<16xf32>, vector<16xi32>)
      %add3A_44 = arith.constant 32 : i32
      %add3A_45 = arith.addi %mul3A_23, %add3A_44 : i32
      %get3A_46 = arith.index_cast %add3A_45 : i32 to index
      %get3A_47 = tpu.vector_load %arg5[%get3A_46] {strides = array<i32>} : memref<32768xf32, #tpu.memory_space<vmem>>, vector<16xf32>,
      %add3A_48 = arith.constant 32 : i32
      %add3A_49 = vector.broadcast %add3A_48 : i32 to vector<16xi32>
      %add3A_50 = arith.addi %iota3A, %add3A_49 : vector<16xi32>
      %masked_sort3A_51 = arith.constant dense<true> : vector<16xi1>
      %masked_sort3A_52, %masked_sort3A_53, %masked_sort3A_54 = tpu.sort %get3A_47, %add3A_50 masked %masked_sort3A_51 {descending = true} : (vector<16xf32>, vector<16xi32>, vector<16xi1>) -> (vector<16xi1>, vector<16xf32>, vector<16xi32>)
      %add3A_55 = arith.constant 48 : i32
      %add3A_56 = arith.addi %mul3A_23, %add3A_55 : i32
      %get3A_57 = arith.index_cast %add3A_56 : i32 to index
      %get3A_58 = tpu.vector_load %arg5[%get3A_57] {strides = array<i32>} : memref<32768xf32, #tpu.memory_space<vmem>>, vector<16xf32>,
      %add3A_59 = arith.constant 48 : i32
      %add3A_60 = vector.broadcast %add3A_59 : i32 to vector<16xi32>
      %add3A_61 = arith.addi %iota3A, %add3A_60 : vector<16xi32>
      %masked_sort3A_62 = arith.constant dense<true> : vector<16xi1>
      %masked_sort3A_63, %masked_sort3A_64, %masked_sort3A_65 = tpu.sort %get3A_58, %add3A_61 masked %masked_sort3A_62 {descending = true} : (vector<16xf32>, vector<16xi32>, vector<16xi1>) -> (vector<16xi1>, vector<16xf32>, vector<16xi32>)
      %rev3A = arith.constant 15 : i32
      %rev3A_66 = vector.broadcast %rev3A : i32 to vector<16xi32>
      %rev3A_67 = tpu.iota {dimensions = array<i32: 0>} : vector<16xi32>
      %rev3A_68 = arith.subi %rev3A_66, %rev3A_67 : vector<16xi32>
      %rev3A_69 = tpu.dynamic_gather %masked_sort3A_42[%rev3A_68] in [0] : vector<16xf32>, vector<16xi32> -> vector<16xf32>
      %rev3A_70 = arith.constant 15 : i32
      %rev3A_71 = vector.broadcast %rev3A_70 : i32 to vector<16xi32>
      %rev3A_72 = tpu.iota {dimensions = array<i32: 0>} : vector<16xi32>
      %rev3A_73 = arith.subi %rev3A_71, %rev3A_72 : vector<16xi32>
      %rev3A_74 = tpu.dynamic_gather %masked_sort3A_43[%rev3A_73] in [0] : vector<16xi32>, vector<16xi32> -> vector<16xi32>
      %select_n3A = arith.select %lt3A_4, %masked_sort3A_31, %rev3A_69 : vector<16xi1>, vector<16xf32>
      %select_n3A_75 = arith.select %lt3A_4, %masked_sort3A_32, %rev3A_74 : vector<16xi1>, vector<16xi32>
      %masked_sort3A_76 = arith.constant dense<true> : vector<16xi1>
      %masked_sort3A_77, %masked_sort3A_78, %masked_sort3A_79 = tpu.sort %select_n3A, %select_n3A_75 masked %masked_sort3A_76 {descending = true} : (vector<16xf32>, vector<16xi32>, vector<16xi1>) -> (vector<16xi1>, vector<16xf32>, vector<16xi32>)
      %rev3A_80 = arith.constant 15 : i32
      %rev3A_81 = vector.broadcast %rev3A_80 : i32 to vector<16xi32>
      %rev3A_82 = tpu.iota {dimensions = array<i32: 0>} : vector<16xi32>
      %rev3A_83 = arith.subi %rev3A_81, %rev3A_82 : vector<16xi32>
      %rev3A_84 = tpu.dynamic_gather %masked_sort3A_64[%rev3A_83] in [0] : vector<16xf32>, vector<16xi32> -> vector<16xf32>
      %rev3A_85 = arith.constant 15 : i32
      %rev3A_86 = vector.broadcast %rev3A_85 : i32 to vector<16xi32>
      %rev3A_87 = tpu.iota {dimensions = array<i32: 0>} : vector<16xi32>
      %rev3A_88 = arith.subi %rev3A_86, %rev3A_87 : vector<16xi32>
      %rev3A_89 = tpu.dynamic_gather %masked_sort3A_65[%rev3A_88] in [0] : vector<16xi32>, vector<16xi32> -> vector<16xi32>
      %select_n3A_90 = arith.select %lt3A_4, %masked_sort3A_53, %rev3A_84 : vector<16xi1>, vector<16xf32>
      %select_n3A_91 = arith.select %lt3A_4, %masked_sort3A_54, %rev3A_89 : vector<16xi1>, vector<16xi32>
      %masked_sort3A_92 = arith.constant dense<true> : vector<16xi1>
      %masked_sort3A_93, %masked_sort3A_94, %masked_sort3A_95 = tpu.sort %select_n3A_90, %select_n3A_91 masked %masked_sort3A_92 {descending = true} : (vector<16xf32>, vector<16xi32>, vector<16xi1>) -> (vector<16xi1>, vector<16xf32>, vector<16xi32>)
      %rev3A_96 = arith.constant 15 : i32
      %rev3A_97 = vector.broadcast %rev3A_96 : i32 to vector<16xi32>
      %rev3A_98 = tpu.iota {dimensions = array<i32: 0>} : vector<16xi32>
      %rev3A_99 = arith.subi %rev3A_97, %rev3A_98 : vector<16xi32>
      %rev3A_100 = tpu.dynamic_gather %masked_sort3A_94[%rev3A_99] in [0] : vector<16xf32>, vector<16xi32> -> vector<16xf32>
      %rev3A_101 = arith.constant 15 : i32
      %rev3A_102 = vector.broadcast %rev3A_101 : i32 to vector<16xi32>
      %rev3A_103 = tpu.iota {dimensions = array<i32: 0>} : vector<16xi32>
      %rev3A_104 = arith.subi %rev3A_102, %rev3A_103 : vector<16xi32>
      %rev3A_105 = tpu.dynamic_gather %masked_sort3A_95[%rev3A_104] in [0] : vector<16xi32>, vector<16xi32> -> vector<16xi32>
      %select_n3A_106 = arith.select %lt3A_4, %masked_sort3A_78, %rev3A_100 : vector<16xi1>, vector<16xf32>
      %select_n3A_107 = arith.select %lt3A_4, %masked_sort3A_79, %rev3A_105 : vector<16xi1>, vector<16xi32>
      %masked_sort3A_108 = arith.constant dense<true> : vector<16xi1>
      %masked_sort3A_109, %masked_sort3A_110, %masked_sort3A_111 = tpu.sort %select_n3A_106, %select_n3A_107 masked %masked_sort3A_108 {descending = true} : (vector<16xf32>, vector<16xi32>, vector<16xi1>) -> (vector<16xi1>, vector<16xf32>, vector<16xi32>)
      %mul3A_112 = arith.constant 128 : i32
      %mul3A_113 = arith.muli %scan3A_20, %mul3A_112 : i32
      %add3A_114 = arith.constant 64 : i32
      %add3A_115 = arith.addi %mul3A_113, %add3A_114 : i32
      %add3A_116 = arith.constant 0 : i32
      %add3A_117 = arith.addi %add3A_115, %add3A_116 : i32
      %get3A_118 = arith.index_cast %add3A_117 : i32 to index
      %get3A_119 = tpu.vector_load %arg5[%get3A_118] {strides = array<i32>} : memref<32768xf32, #tpu.memory_space<vmem>>, vector<16xf32>,
      %add3A_120 = arith.constant 0 : i32
      %add3A_121 = vector.broadcast %add3A_120 : i32 to vector<16xi32>
      %add3A_122 = arith.addi %iota3A, %add3A_121 : vector<16xi32>
      %masked_sort3A_123 = arith.constant dense<true> : vector<16xi1>
      %masked_sort3A_124, %masked_sort3A_125, %masked_sort3A_126 = tpu.sort %get3A_119, %add3A_122 masked %masked_sort3A_123 {descending = true} : (vector<16xf32>, vector<16xi32>, vector<16xi1>) -> (vector<16xi1>, vector<16xf32>, vector<16xi32>)
      %add3A_127 = arith.constant 16 : i32
      %add3A_128 = arith.addi %add3A_115, %add3A_127 : i32
      %get3A_129 = arith.index_cast %add3A_128 : i32 to index
      %get3A_130 = tpu.vector_load %arg5[%get3A_129] {strides = array<i32>} : memref<32768xf32, #tpu.memory_space<vmem>>, vector<16xf32>,
      %add3A_131 = arith.constant 16 : i32
      %add3A_132 = vector.broadcast %add3A_131 : i32 to vector<16xi32>
      %add3A_133 = arith.addi %iota3A, %add3A_132 : vector<16xi32>
      %masked_sort3A_134 = arith.constant dense<true> : vector<16xi1>
      %masked_sort3A_135, %masked_sort3A_136, %masked_sort3A_137 = tpu.sort %get3A_130, %add3A_133 masked %masked_sort3A_134 {descending = true} : (vector<16xf32>, vector<16xi32>, vector<16xi1>) -> (vector<16xi1>, vector<16xf32>, vector<16xi32>)
      %add3A_138 = arith.constant 32 : i32
      %add3A_139 = arith.addi %add3A_115, %add3A_138 : i32
      %get3A_140 = arith.index_cast %add3A_139 : i32 to index
      %get3A_141 = tpu.vector_load %arg5[%get3A_140] {strides = array<i32>} : memref<32768xf32, #tpu.memory_space<vmem>>, vector<16xf32>,
      %add3A_142 = arith.constant 32 : i32
      %add3A_143 = vector.broadcast %add3A_142 : i32 to vector<16xi32>
      %add3A_144 = arith.addi %iota3A, %add3A_143 : vector<16xi32>
      %masked_sort3A_145 = arith.constant dense<true> : vector<16xi1>
      %masked_sort3A_146, %masked_sort3A_147, %masked_sort3A_148 = tpu.sort %get3A_141, %add3A_144 masked %masked_sort3A_145 {descending = true} : (vector<16xf32>, vector<16xi32>, vector<16xi1>) -> (vector<16xi1>, vector<16xf32>, vector<16xi32>)
      %add3A_149 = arith.constant 48 : i32
      %add3A_150 = arith.addi %add3A_115, %add3A_149 : i32
      %get3A_151 = arith.index_cast %add3A_150 : i32 to index
      %get3A_152 = tpu.vector_load %arg5[%get3A_151] {strides = array<i32>} : memref<32768xf32, #tpu.memory_space<vmem>>, vector<16xf32>,
      %add3A_153 = arith.constant 48 : i32
      %add3A_154 = vector.broadcast %add3A_153 : i32 to vector<16xi32>
      %add3A_155 = arith.addi %iota3A, %add3A_154 : vector<16xi32>
      %masked_sort3A_156 = arith.constant dense<true> : vector<16xi1>
      %masked_sort3A_157, %masked_sort3A_158, %masked_sort3A_159 = tpu.sort %get3A_152, %add3A_155 masked %masked_sort3A_156 {descending = true} : (vector<16xf32>, vector<16xi32>, vector<16xi1>) -> (vector<16xi1>, vector<16xf32>, vector<16xi32>)
      %rev3A_160 = arith.constant 15 : i32
      %rev3A_161 = vector.broadcast %rev3A_160 : i32 to vector<16xi32>
      %rev3A_162 = tpu.iota {dimensions = array<i32: 0>} : vector<16xi32>
      %rev3A_163 = arith.subi %rev3A_161, %rev3A_162 : vector<16xi32>
      %rev3A_164 = tpu.dynamic_gather %masked_sort3A_136[%rev3A_163] in [0] : vector<16xf32>, vector<16xi32> -> vector<16xf32>
      %rev3A_165 = arith.constant 15 : i32
      %rev3A_166 = vector.broadcast %rev3A_165 : i32 to vector<16xi32>
      %rev3A_167 = tpu.iota {dimensions = array<i32: 0>} : vector<16xi32>
      %rev3A_168 = arith.subi %rev3A_166, %rev3A_167 : vector<16xi32>
      %rev3A_169 = tpu.dynamic_gather %masked_sort3A_137[%rev3A_168] in [0] : vector<16xi32>, vector<16xi32> -> vector<16xi32>
      %select_n3A_170 = arith.select %lt3A_4, %masked_sort3A_125, %rev3A_164 : vector<16xi1>, vector<16xf32>
      %select_n3A_171 = arith.select %lt3A_4, %masked_sort3A_126, %rev3A_169 : vector<16xi1>, vector<16xi32>
      %masked_sort3A_172 = arith.constant dense<true> : vector<16xi1>
      %masked_sort3A_173, %masked_sort3A_174, %masked_sort3A_175 = tpu.sort %select_n3A_170, %select_n3A_171 masked %masked_sort3A_172 {descending = true} : (vector<16xf32>, vector<16xi32>, vector<16xi1>) -> (vector<16xi1>, vector<16xf32>, vector<16xi32>)
      %rev3A_176 = arith.constant 15 : i32
      %rev3A_177 = vector.broadcast %rev3A_176 : i32 to vector<16xi32>
      %rev3A_178 = tpu.iota {dimensions = array<i32: 0>} : vector<16xi32>
      %rev3A_179 = arith.subi %rev3A_177, %rev3A_178 : vector<16xi32>
      %rev3A_180 = tpu.dynamic_gather %masked_sort3A_158[%rev3A_179] in [0] : vector<16xf32>, vector<16xi32> -> vector<16xf32>
      %rev3A_181 = arith.constant 15 : i32
      %rev3A_182 = vector.broadcast %rev3A_181 : i32 to vector<16xi32>
      %rev3A_183 = tpu.iota {dimensions = array<i32: 0>} : vector<16xi32>
      %rev3A_184 = arith.subi %rev3A_182, %rev3A_183 : vector<16xi32>
      %rev3A_185 = tpu.dynamic_gather %masked_sort3A_159[%rev3A_184] in [0] : vector<16xi32>, vector<16xi32> -> vector<16xi32>
      %select_n3A_186 = arith.select %lt3A_4, %masked_sort3A_147, %rev3A_180 : vector<16xi1>, vector<16xf32>
      %select_n3A_187 = arith.select %lt3A_4, %masked_sort3A_148, %rev3A_185 : vector<16xi1>, vector<16xi32>
      %masked_sort3A_188 = arith.constant dense<true> : vector<16xi1>
      %masked_sort3A_189, %masked_sort3A_190, %masked_sort3A_191 = tpu.sort %select_n3A_186, %select_n3A_187 masked %masked_sort3A_188 {descending = true} : (vector<16xf32>, vector<16xi32>, vector<16xi1>) -> (vector<16xi1>, vector<16xf32>, vector<16xi32>)
      %rev3A_192 = arith.constant 15 : i32
      %rev3A_193 = vector.broadcast %rev3A_192 : i32 to vector<16xi32>
      %rev3A_194 = tpu.iota {dimensions = array<i32: 0>} : vector<16xi32>
      %rev3A_195 = arith.subi %rev3A_193, %rev3A_194 : vector<16xi32>
      %rev3A_196 = tpu.dynamic_gather %masked_sort3A_190[%rev3A_195] in [0] : vector<16xf32>, vector<16xi32> -> vector<16xf32>
      %rev3A_197 = arith.constant 15 : i32
      %rev3A_198 = vector.broadcast %rev3A_197 : i32 to vector<16xi32>
      %rev3A_199 = tpu.iota {dimensions = array<i32: 0>} : vector<16xi32>
      %rev3A_200 = arith.subi %rev3A_198, %rev3A_199 : vector<16xi32>
      %rev3A_201 = tpu.dynamic_gather %masked_sort3A_191[%rev3A_200] in [0] : vector<16xi32>, vector<16xi32> -> vector<16xi32>
      %select_n3A_202 = arith.select %lt3A_4, %masked_sort3A_174, %rev3A_196 : vector<16xi1>, vector<16xf32>
      %select_n3A_203 = arith.select %lt3A_4, %masked_sort3A_175, %rev3A_201 : vector<16xi1>, vector<16xi32>
      %masked_sort3A_204 = arith.constant dense<true> : vector<16xi1>
      %masked_sort3A_205, %masked_sort3A_206, %masked_sort3A_207 = tpu.sort %select_n3A_202, %select_n3A_203 masked %masked_sort3A_204 {descending = true} : (vector<16xf32>, vector<16xi32>, vector<16xi1>) -> (vector<16xi1>, vector<16xf32>, vector<16xi32>)
      %broadcast_in_dim3A = vector.shape_cast %and3A_9 : vector<16xi32> to vector<16x1xi32>
      %gather3A = vector.shape_cast %broadcast_in_dim3A : vector<16x1xi32> to vector<16xi32>
      %gather3A_208 = tpu.dynamic_gather %masked_sort3A_206[%gather3A] in [0] : vector<16xf32>, vector<16xi32> -> vector<16xf32>
      %select_n3A_209 = arith.select %lt3A_4, %masked_sort3A_110, %gather3A_208 : vector<16xi1>, vector<16xf32>
      %mul3A_210 = arith.constant 16 : i32
      %mul3A_211 = arith.muli %scan3A_20, %mul3A_210 : i32
      %swap3A = arith.index_cast %mul3A_211 : i32 to index
      %swap3A_212 = tpu.vector_load %arg6[%swap3A] {strides = array<i32>} : memref<4096xf32, #tpu.memory_space<vmem>>, vector<16xf32>,
      tpu.vector_store %arg6[%swap3A], %select_n3A_209 {strides = array<i32>} : memref<4096xf32, #tpu.memory_space<vmem>>, vector<16xf32>,
      %broadcast_in_dim3A_213 = vector.shape_cast %and3A_9 : vector<16xi32> to vector<16x1xi32>
      %gather3A_214 = vector.shape_cast %broadcast_in_dim3A_213 : vector<16x1xi32> to vector<16xi32>
      %gather3A_215 = tpu.dynamic_gather %masked_sort3A_207[%gather3A_214] in [0] : vector<16xi32>, vector<16xi32> -> vector<16xi32>
      %select_n3A_216 = arith.select %lt3A_4, %masked_sort3A_111, %gather3A_215 : vector<16xi1>, vector<16xi32>
      %mul3A_217 = arith.constant 16 : i32
      %mul3A_218 = arith.muli %scan3A_20, %mul3A_217 : i32
      %swap3A_219 = arith.index_cast %mul3A_218 : i32 to index
      %swap3A_220 = tpu.vector_load %arg7[%swap3A_219] {strides = array<i32>} : memref<4096xi32, #tpu.memory_space<vmem>>, vector<16xi32>,
      tpu.vector_store %arg7[%swap3A_219], %select_n3A_216 {strides = array<i32>} : memref<4096xi32, #tpu.memory_space<vmem>>, vector<16xi32>,
      %scan3A_221 = arith.constant 0 : i32
      scf.yield %scan3A_221 : i32
    }
    %scan3A_15 = arith.constant 256 : i32
    %mul3A_16 = arith.constant 4096 : i32
    %mul3A_17 = arith.muli %add3A, %mul3A_16 : i32
    "tpu.region"() ({
      %run_scoped3A = tpu.sem_alloc : memref<!tpu.dma_semaphore, #tpu.memory_space<semaphore_mem>>
      %dma_start3A = tpu.memref_slice %arg3[%mul3A_17] : memref<131072xf32, #tpu.memory_space<hbm>> -> memref<4096xf32, #tpu.memory_space<hbm>>
      %dma_start3A_20 = tpu.memref_slice %arg3[%mul3A_17] : memref<131072xf32, #tpu.memory_space<hbm>> -> memref<4096xf32, #tpu.memory_space<hbm>>
      tpu.enqueue_dma source(%arg6 : memref<4096xf32, #tpu.memory_space<vmem>>) target(%dma_start3A_20 : memref<4096xf32, #tpu.memory_space<hbm>>) target_semaphore(%run_scoped3A : memref<!tpu.dma_semaphore, #tpu.memory_space<semaphore_mem>>)
      %dma_wait3A = tpu.memref_slice %arg3[%mul3A_17] : memref<131072xf32, #tpu.memory_space<hbm>> -> memref<4096xf32, #tpu.memory_space<hbm>>
      %dma_wait3A_21 = tpu.memref_slice %arg3[%mul3A_17] : memref<131072xf32, #tpu.memory_space<hbm>> -> memref<4096xf32, #tpu.memory_space<hbm>>
      tpu.wait_dma2 semaphore(%run_scoped3A : memref<!tpu.dma_semaphore, #tpu.memory_space<semaphore_mem>>) src(%arg6 : memref<4096xf32, #tpu.memory_space<vmem>>) dst(%dma_wait3A_21 : memref<4096xf32, #tpu.memory_space<hbm>>)
      tpu.yield
    }) : () -> ()
    %mul3A_18 = arith.constant 4096 : i32
    %mul3A_19 = arith.muli %add3A, %mul3A_18 : i32
    "tpu.region"() ({
      %run_scoped3A = tpu.sem_alloc : memref<!tpu.dma_semaphore, #tpu.memory_space<semaphore_mem>>
      %dma_start3A = tpu.memref_slice %arg4[%mul3A_19] : memref<131072xi32, #tpu.memory_space<hbm>> -> memref<4096xi32, #tpu.memory_space<hbm>>
      %dma_start3A_20 = tpu.memref_slice %arg4[%mul3A_19] : memref<131072xi32, #tpu.memory_space<hbm>> -> memref<4096xi32, #tpu.memory_space<hbm>>
      tpu.enqueue_dma source(%arg7 : memref<4096xi32, #tpu.memory_space<vmem>>) target(%dma_start3A_20 : memref<4096xi32, #tpu.memory_space<hbm>>) target_semaphore(%run_scoped3A : memref<!tpu.dma_semaphore, #tpu.memory_space<semaphore_mem>>)
      %dma_wait3A = tpu.memref_slice %arg4[%mul3A_19] : memref<131072xi32, #tpu.memory_space<hbm>> -> memref<4096xi32, #tpu.memory_space<hbm>>
      %dma_wait3A_21 = tpu.memref_slice %arg4[%mul3A_19] : memref<131072xi32, #tpu.memory_space<hbm>> -> memref<4096xi32, #tpu.memory_space<hbm>>
      tpu.wait_dma2 semaphore(%run_scoped3A : memref<!tpu.dma_semaphore, #tpu.memory_space<semaphore_mem>>) src(%arg7 : memref<4096xi32, #tpu.memory_space<vmem>>) dst(%dma_wait3A_21 : memref<4096xi32, #tpu.memory_space<hbm>>)
      tpu.yield
    }) : () -> ()
    return
  }
}

module attributes {stable_mosaic.version = 14 : i64} {
  func.func @_probs_body(%arg0: i32, %arg1: memref<1024x2048xf32, #tpu.memory_space<vmem>>, %arg2: memref<64x2048xf32, #tpu.memory_space<vmem>>, %arg3: memref<1024x64xf32, #tpu.memory_space<vmem>>) attributes {dimension_semantics = [#tpu.dimension_semantics<arbitrary>], iteration_bounds = array<i64: 16>, scalar_prefetch = 0 : i64, scratch_operands = 0 : i64, tpu.core_type = #tpu.core_type<tc>, window_params = [{transform_indices = @transform_0, window_bounds = array<i64: 1024, 2048>}, {pipeline_mode = #tpu.pipeline_mode<synchronous>, transform_indices = @transform_1, window_bounds = array<i64: 64, 2048>}, {transform_indices = @transform_2, window_bounds = array<i64: 1024, 64>}]} {
    %get3A = arith.constant 0 : index
    %get3A_0 = arith.constant 0 : index
    %get3A_1 = vector.load %arg1[%get3A, %get3A_0] : memref<1024x2048xf32, #tpu.memory_space<vmem>>, vector<1024x2048xf32>
    %get3A_2 = arith.constant 0 : index
    %get3A_3 = arith.constant 0 : index
    %get3A_4 = vector.load %arg2[%get3A_2, %get3A_3] : memref<64x2048xf32, #tpu.memory_space<vmem>>, vector<64x2048xf32>
    %mul3A = arith.mulf %get3A_1, %get3A_1 : vector<1024x2048xf32>
    %reduce_sum3A = arith.constant dense<0.000000e+00> : vector<1024xf32>
    %reduce_sum3A_5 = vector.multi_reduction <add>, %mul3A, %reduce_sum3A [1] : vector<1024x2048xf32> to vector<1024xf32>
    %broadcast_in_dim3A = vector.shape_cast %reduce_sum3A_5 : vector<1024xf32> to vector<1024x1xf32>
    %sqrt3A = math.sqrt %broadcast_in_dim3A : vector<1024x1xf32>
    %max3A = arith.constant 9.99999996E-13 : f32
    %max3A_6 = vector.broadcast %max3A : f32 to vector<1024x1xf32>
    %max3A_7 = arith.maximumf %sqrt3A, %max3A_6 : vector<1024x1xf32>
    %mul3A_8 = arith.mulf %get3A_4, %get3A_4 : vector<64x2048xf32>
    %reduce_sum3A_9 = arith.constant dense<0.000000e+00> : vector<64xf32>
    %reduce_sum3A_10 = vector.multi_reduction <add>, %mul3A_8, %reduce_sum3A_9 [1] : vector<64x2048xf32> to vector<64xf32>
    %broadcast_in_dim3A_11 = vector.shape_cast %reduce_sum3A_10 : vector<64xf32> to vector<64x1xf32>
    %sqrt3A_12 = math.sqrt %broadcast_in_dim3A_11 : vector<64x1xf32>
    %max3A_13 = arith.constant 9.99999996E-13 : f32
    %max3A_14 = vector.broadcast %max3A_13 : f32 to vector<64x1xf32>
    %max3A_15 = arith.maximumf %sqrt3A_12, %max3A_14 : vector<64x1xf32>
    %div3A = vector.broadcast %max3A_7 : vector<1024x1xf32> to vector<1024x2048xf32>
    %div3A_16 = arith.divf %get3A_1, %div3A : vector<1024x2048xf32>
    %convert_element_type3A = arith.truncf %div3A_16 : vector<1024x2048xf32> to vector<1024x2048xbf16>
    %div3A_17 = vector.broadcast %max3A_15 : vector<64x1xf32> to vector<64x2048xf32>
    %div3A_18 = arith.divf %get3A_4, %div3A_17 : vector<64x2048xf32>
    %convert_element_type3A_19 = arith.truncf %div3A_18 : vector<64x2048xf32> to vector<64x2048xbf16>
    %dot_general3A = arith.constant dense<0.000000e+00> : vector<1024x64xf32>
    %dot_general3A_20 = tpu.matmul %convert_element_type3A, %convert_element_type3A_19, %dot_general3A {dimension_numbers = #tpu.dot_dimension_numbers<[1], [1], [0], [0], [0, 0, 1, 0], [], []>, transpose_lhs_hint = false} : vector<1024x2048xbf16>, vector<64x2048xbf16>, vector<1024x64xf32> -> vector<1024x64xf32>
    %reduce_max3A = arith.constant dense<0xFF800000> : vector<1024xf32>
    %reduce_max3A_21 = vector.multi_reduction <maximumf>, %dot_general3A_20, %reduce_max3A [1] : vector<1024x64xf32> to vector<1024xf32>
    %broadcast_in_dim3A_22 = vector.shape_cast %reduce_max3A_21 : vector<1024xf32> to vector<1024x1xf32>
    %sub3A = vector.broadcast %broadcast_in_dim3A_22 : vector<1024x1xf32> to vector<1024x64xf32>
    %sub3A_23 = arith.subf %dot_general3A_20, %sub3A : vector<1024x64xf32>
    %exp3A = math.exp %sub3A_23 : vector<1024x64xf32>
    %reduce_sum3A_24 = arith.constant dense<0.000000e+00> : vector<1024xf32>
    %reduce_sum3A_25 = vector.multi_reduction <add>, %exp3A, %reduce_sum3A_24 [1] : vector<1024x64xf32> to vector<1024xf32>
    %broadcast_in_dim3A_26 = vector.shape_cast %reduce_sum3A_25 : vector<1024xf32> to vector<1024x1xf32>
    %div3A_27 = vector.broadcast %broadcast_in_dim3A_26 : vector<1024x1xf32> to vector<1024x64xf32>
    %div3A_28 = arith.divf %exp3A, %div3A_27 : vector<1024x64xf32>
    %swap3A = arith.constant 0 : index
    %swap3A_29 = arith.constant 0 : index
    %swap3A_30 = vector.load %arg3[%swap3A, %swap3A_29] : memref<1024x64xf32, #tpu.memory_space<vmem>>, vector<1024x64xf32>
    tpu.vector_store %arg3[%swap3A, %swap3A_29], %div3A_28 {strides = array<i32>} : memref<1024x64xf32, #tpu.memory_space<vmem>>, vector<1024x64xf32>,
    return
  }
  func.func @transform_0(%arg0: i32) -> (i32, i32) {
    %c0_i32 = arith.constant 0 : i32
    %c0_i32_0 = arith.constant 0 : i32
    return %arg0, %c0_i32 : i32, i32
  }
  func.func @transform_1(%arg0: i32) -> (i32, i32) {
    %c0_i32 = arith.constant 0 : i32
    %c0_i32_0 = arith.constant 0 : i32
    %c0_i32_1 = arith.constant 0 : i32
    return %c0_i32, %c0_i32_0 : i32, i32
  }
  func.func @transform_2(%arg0: i32) -> (i32, i32) {
    %c0_i32 = arith.constant 0 : i32
    %c0_i32_0 = arith.constant 0 : i32
    return %arg0, %c0_i32 : i32, i32
  }
}

</mosaic_0001>

<sc_bundles>
// kernel: kernel.4.cloned.1.call-start
scs
__scs_entry_jumppad:
0x0: {  	(pc) =	sbr.rel $0x88, $3  }
0x1: {  	(tag) =	ssettag $0x0;
	lr =	simm.s32 $0x1  }
0x2: {  	[smem:$0x3F9F] =	sst lr;
	_ =	strace $0xD0000000  }
0x3: {  	_ = 	snop  }
0x4: {  	_ = 	snop  }
0x5: {  	_ = 	snop  }
0x6: {  	_ = 	snop  }
0x7: {  	_ = 	snop  }
__scs_overlays_trampoline_lowered:
0x8: {  	[smem:$0x3FAE] =	sst s0  }
0x9: {  	[smem:$0x3FAF] =	sst s1  }
0xa: {  	[smem:$0x3FB0] =	sst s2  }
0xb: {  	[smem:$0x3FB1] =	sst s3  }
0xc: {  	[smem:$0x3FB2] =	sst s4  }
0xd: {  	[smem:$0x3FB3] =	sst s5  }
0xe: {  	[smem:$0x3FB4] =	sst s6  }
0xf: {  	[smem:$0x3FB5] =	sst s7  }
0x10: {  	[smem:$0x3FB6] =	sst s8  }
0x11: {  	[smem:$0x3FB7] =	sst s9;
	s0 =	simm.s32 @!p0 $0x0  }
0x12: {  	s1 =	sld [smem:$0x3F9D];
	s0 =	simm.s32 @p0 $0x1  }
0x13: {  	[smem:$0x3FB8] =	sst s0;
	s0 =	simm.s32 @!p1 $0x0  }
0x14: {  	s2 =	sld [smem:$0x3F9C];
	s0 =	simm.s32 @p1 $0x1  }
0x15: {  	[smem:$0x3FB9] =	sst s0;
	s0 =	simm.s32 @!p2 $0x0  }
0x16: {  	s3 =	sld [smem:$0x3FDB];
	s0 =	simm.s32 @p2 $0x1  }
0x17: {  	s4 =	simm.s32 $0x1BF5;
	[smem:$0x3FBB] =	sst s0  }
0x18: {  	s0 =	sld [smem:$0x3F9E];
	_ =	swait.ge [sflag:s4], $0x0  }
0x19: {  	s7 =	sld [smem:$0x3F9F]  }
0x1a: {  	s8 =	sadd.s32 $0xFFFFE003, lr  }
0x1b: {  	s9 =	sadd.s32 $0xFFFFFEF7, lr;
	s5 =	simm.s32 $0xFFFFFFFF;
	p2 =	slt.u32 s8, $0xFFFFF086  }
0x1c: {  	p1 =	slt.u32 s9, $0xF7A;
	s5 =	simm.s32 @!p2 $0x0  }
0x1d: {  	s5 =	simm.s32 @p1 $0x1;
	p0 =	seq.s32 s7, s2  }
0x1e: {  	s7 =	smul.u32 @!p0 $0xF7A, s2;
	p2 =	seq.s32 @!p0 s5, $0x0  }
0x1f: {  	s9 =	smul.u32 $0xF7A, s1;
	s8 =	simm.s32 @!p0 $0x1BF5;
	p2 =	por !p2, p0  }
0x20: {  	[sflag:s8] =	ssyncset.s32 @!p0 $0xFFFFF086;
	s6 =	sadd.s32 @!p0 s3, s7;
	s7 =	simm.s32 @!p0 $0x108  }
0x21: {  	s3 =	sadd.s32 s3, s9;
	s6 =	sadd.s32 @!p0 $0x88, s6;
	s7 =	simm.s32 @p2 $0x1082  }
0x22: {  	[simem:s7], [sflag:s8] =	dma.local @!p0 [hbm:s6], $0xF7A  }
0x23: {  	s9 =	sor.u32 $0xD0000000, s2;
	s6 =	simm.s32 $0x108;
	_ =	swait.ge @!p0 [sflag:s8], $0x0  }
0x24: {  	s3 =	sadd.s32 $0x88, s3;
	s6 =	simm.s32 @!p1 $0x1082;
	[sflag:s4] =	ssyncset.s32 $0xFFFFF086  }
0x25: {  	[simem:s6], [sflag:s4] =	dma.local [hbm:s3], $0xF7A  }
0x26: {  	[smem:$0x3F9F] =	sst s1;
	(tag) =	ssettag s2;
	_ =	strace s9  }
0x27: {  	s1 =	sld [smem:$0x3FAF]  }
0x28: {  	s2 =	sld [smem:$0x3FB0]  }
0x29: {  	s4 =	sld [smem:$0x3FB2]  }
0x2a: {  	p0 =	seq.s32 s5, $0x0;
	s5 =	sld [smem:$0x3FB3]  }
0x2b: {  	s6 =	sld [smem:$0x3FB4]  }
0x2c: {  	s7 =	sld [smem:$0x3FB5]  }
0x2d: {  	s3 =	simm.s32 $0x108;
	s8 =	sld [smem:$0x3FB6]  }
0x2e: {  	s3 =	simm.s32 @!p0 $0x1082;
	s9 =	sld [smem:$0x3FB7]  }
0x2f: {  	lr =	sadd.s32 s0, s3;
	s0 =	sld [smem:$0x3FAE]  }
0x30: {  	s3 =	sld [smem:$0x3FB1]  }
0x31: {  	[smem:$0x3FBA] =	sst s10  }
0x32: {  	s10 =	sld [smem:$0x3FB8];
	_ =	sdelay $0x3  }
0x33: {  	p0 =	seq.s32 s10, $0x1;
	s10 =	sld [smem:$0x3FBA];
	_ =	sdelay $0x3  }
0x34: {  	[smem:$0x3FBA] =	sst s10  }
0x35: {  	s10 =	sld [smem:$0x3FB9];
	_ =	sdelay $0x3  }
0x36: {  	p1 =	seq.s32 s10, $0x1;
	s10 =	sld [smem:$0x3FBA];
	_ =	sdelay $0x3  }
0x37: {  	[smem:$0x3FBA] =	sst s10  }
0x38: {  	s10 =	sld [smem:$0x3FBB]  }
0x39: {  	_ = 	snop;
	(pc) =	sbr.ind lr, $3  }
0x3a: {  	_ = 	snop  }
0x3b: {  	_ = 	snop  }
0x3c: {  	p2 =	seq.s32 s10, $0x1;
	s10 =	sld [smem:$0x3FBA]  }
0x3d: {  	_ =	shalt  }
0x3e: {  	_ =	shalt  }
0x3f: {  	_ =	shalt  }
0x40: {  	_ =	shalt  }
0x41: {  	_ =	shalt  }
0x42: {  	_ =	shalt  }
0x43: {  	_ =	shalt  }
0x44: {  	_ =	shalt  }
0x45: {  	_ =	shalt  }
0x46: {  	_ =	shalt  }
0x47: {  	_ =	shalt  }
0x48: {  	_ =	shalt  }
0x49: {  	_ =	shalt  }
0x4a: {  	_ =	shalt  }
0x4b: {  	_ =	shalt  }
0x4c: {  	_ =	shalt  }
0x4d: {  	_ =	shalt  }
0x4e: {  	_ =	shalt  }
0x4f: {  	_ =	shalt  }
0x50: {  	_ =	shalt  }
0x51: {  	_ =	shalt  }
0x52: {  	_ =	shalt  }
0x53: {  	_ =	shalt  }
0x54: {  	_ =	shalt  }
0x55: {  	_ =	shalt  }
0x56: {  	_ =	shalt  }
0x57: {  	_ =	shalt  }
0x58: {  	_ =	shalt  }
0x59: {  	_ =	shalt  }
0x5a: {  	_ =	shalt  }
0x5b: {  	_ =	shalt  }
0x5c: {  	_ =	shalt  }
0x5d: {  	_ =	shalt  }
0x5e: {  	_ =	shalt  }
0x5f: {  	_ =	shalt  }
0x60: {  	_ =	shalt  }
0x61: {  	_ =	shalt  }
0x62: {  	_ =	shalt  }
0x63: {  	_ =	shalt  }
0x64: {  	_ =	shalt  }
0x65: {  	_ =	shalt  }
0x66: {  	_ =	shalt  }
0x67: {  	_ =	shalt  }
0x68: {  	_ =	shalt  }
0x69: {  	_ =	shalt  }
0x6a: {  	_ =	shalt  }
0x6b: {  	_ =	shalt  }
0x6c: {  	_ =	shalt  }
0x6d: {  	_ =	shalt  }
0x6e: {  	_ =	shalt  }
0x6f: {  	_ =	shalt  }
0x70: {  	_ =	shalt  }
0x71: {  	_ =	shalt  }
0x72: {  	_ =	shalt  }
0x73: {  	_ =	shalt  }
0x74: {  	_ =	shalt  }
0x75: {  	_ =	shalt  }
0x76: {  	_ =	shalt  }
0x77: {  	_ =	shalt  }
0x78: {  	_ =	shalt  }
0x79: {  	_ =	shalt  }
0x7a: {  	_ =	shalt  }
0x7b: {  	_ =	shalt  }
0x7c: {  	_ =	shalt  }
0x7d: {  	_ =	shalt  }
0x7e: {  	_ =	shalt  }
0x7f: {  	_ =	shalt  }
0x80: {  	_ =	shalt  }
0x81: {  	_ =	shalt  }
0x82: {  	_ =	shalt  }
0x83: {  	_ =	shalt  }
0x84: {  	_ =	shalt  }
0x85: {  	_ =	shalt  }
0x86: {  	_ =	shalt  }
0x87: {  	_ =	shalt  }
.Lfunc_end0:
.L_simem_size_0:
called_computation_lowered:
.L_overlay_start_0:
0x88: {  	s2 =	sld [smem:$0x3FD9]  }
0x89: {  	s3 =	sld [smem:$0x3FFE];
	_ =	sdelay $0x1  }
0x8a: {  	s1 =	srdreg.scid  }
0x8b: {  	s0 =	sand.u32 $0x1, s1  }
0x8c: {  	s14 =	sshll.u32 s0, $0xA;
	s2 =	sadd.s32 s3, s2  }
0x8d: {  	s2 =	sadd.s32 s2, s14  }
0x8e: {  	[smem:$0x3FC6] =	sst s2  }
0x8f: {  	_ = 	snop  }
0x90: {  	s2 =	sld [smem:$0x3FD0];
	_ =	sdelay $0x2  }
0x91: {  	s15 =	simm.s32 $0xA;
	s4 =	simm.s32 $0x10  }
0x92: {  	[smem:s4], [sflag:s15] =	dma.local [hbm:s2], $0x1  }
0x93: {  	_ =	swait.eq [sflag:s15], $0x1  }
0x94: {  	[sflag:s15] =	ssyncset.done $0x0  }
0x95: {  	[sflag:s15] =	ssyncadd.s32 $0xFFFFFFFF  }
0x96: {  	s16 =	sld [smem:$0x11];
	(tm) =	ssettm $0x1  }
0x97: {  	s17 =	sld [smem:$0x3FFB];
	_ =	sdelay $0x3  }
0x98: {  	_ =	strace s17  }
0x99: {  	s3 =	sld [smem:$0x3FFC];
	_ =	sdelay $0x3  }
0x9a: {  	_ =	strace s3  }
0x9b: {  	s3 =	sld [smem:$0x3FFD];
	_ =	sdelay $0x3  }
0x9c: {  	_ =	strace s3  }
0x9d: {  	_ =	strace $0x8FFFFFFF  }
0x9e: {  	s18 =	sld [smem:$0x3FDB];
	_ =	sdelay $0x1  }
0x9f: {  	s19 =	simm.s32 $_scs_section_size  }
0xa0: {  	s5 =	simm.s32 $_size__tile_overlayer_lowered;
	s6 =	simm.s32 $_tile_overlayer_lowered  }
0xa1: {  	s22 =	simm.s32 $0x1BFF;
	s21 =	sshll.u32 s6, $0x1;
	s3 =	sadd.s32 s19, s18  }
0xa2: {  	s7 =	simm.s32 $0x0;
	s20 =	sshll.u32 s5, $0x1;
	s5 =	sadd.s32 s21, s3  }
0xa3: {  	[timem:s7], [sflag:s22] =	dma.local [hbm:s5], s20  }
0xa4: {  	_ =	swait.ge [sflag:s22], s20  }
0xa5: {  	s4 =	ssub.s32 $0x0, s20;
	[sflag:s22] =	ssyncset.done $0x0  }
0xa6: {  	[sflag:s22] =	ssyncadd.s32 s4;
	_ =	sdelay $0x1  }
0xa7: {  	s23 =	simm.s32 $0x1B8B  }
0xa8: {  	_ =	swait.ge [sflag:s23], $0x1  }
0xa9: {  	[sflag:s23] =	ssyncset.done $0x0  }
0xaa: {  	s25 =	simm.s32 $0x1B8E;
	s24 =	sld [smem:$0x3FFE];
	[sflag:s23] =	ssyncadd.s32 $0xFFFFFFFF  }
0xab: {  	s26 =	simm.s32 $execute0_lowered;
	[smem:$0x3FD2] =	sst s25  }
0xac: {  	s5 =	sshll.u32 s26, $0x1;
	_ =	strace $0x80000046;
	[dreg:$0x1] =	wrdreg $0xFFFFFFFF  }
0xad: {  	s28 =	simm.s32 $_size_execute0_lowered;
	s3 =	sadd.s32 s3, s5;
	[dreg:$0x0] =	wrdreg $0x0  }
0xae: {  	s5 =	sshll.u32 s28, $0x1;
	[dreg:$0x2] =	wrdreg s3  }
0xaf: {  	[dreg:$0x3] =	wrdreg s5  }
0xb0: {  	[dreg:$0x4] =	wrdreg $0xC0  }
0xb1: {  	_ =	task [dreg:s7], $0x5FFFF  }
0xb2: {  	[dreg:$0x1] =	wrdreg $0xFFFFFFFF  }
0xb3: {  	[dreg:$0x0] =	wrdreg $0x60  }
0xb4: {  	[dreg:$0x2] =	wrdreg s24  }
0xb5: {  	[dreg:$0x3] =	wrdreg s16  }
0xb6: {  	[dreg:$0x4] =	wrdreg $0x9  }
0xb7: {  	_ =	task.clear_ibuf [dreg:s7], $0x5FFFF;
	_ =	strace $0x90000046  }
0xb8: {  	s29 =	simm.s32 $0x9;
	_ =	strace $0x80000048  }
0xb9: {  	_ =	swait.ge [sflag:s29], $0x1  }
0xba: {  	[sflag:s29] =	ssyncadd.s32 $0xFFFFFFFF  }
0xbb: {  	_ =	strace $0x90000048  }
0xbc: {  	_ =	sfence  }
0xbd: {  	s30 =	sld [smem:$0x0];
	_ =	sdelay $0x2  }
0xbe: {  	s31 =	sshll.u32 s1, $0xD;
	s1 =	sshrl.u32 s1, $0x2  }
0xbf: {  	s3 =	sand.u32 $0x4000, s31;
	s1 =	sadd.s32 s1, s30  }
0xc0: {  	s0 =	sor.u32 s3, s0;
	s1 =	sshll.u32 s1, $0x11  }
0xc1: {  	s0 =	sor.u32 s1, s0  }
0xc2: {  	s0 =	sadd.s32 $0x8F2B, s0  }
0xc3: {  	[sflag:s0] =	ssyncadd.remote.s32 $0x1  }
0xc4: {  	_ =	sfence.sel $0xFFFF  }
0xc5: {  	[dreg:$0x0] =	wrdreg $0xFFFFFFFF;
	(pc) =	sbr.abs _section_cstart, $3  }
0xc6: {  	[dreg:$0x1] =	wrdreg $0xFFFFFFFF  }
0xc7: {  	_ =	task.clear_ibuf [dreg:s7], $0x2FFFF;
	_ =	strace $0x9FFFFFFF  }
0xc8: {  	(tm) =	ssettm $0x7FFFFFFF  }
0xc9: {  	_ =	shalt  }
tec
execute0_lowered:
.L_overlay_start_1:
0x0: {  	(tag) =	ssettag $0x1  }
0x1: {  	s3 =	rddreg [dreg:$0x0]  }
0x2: {  	s4 =	rddreg [dreg:$0x1]  }
0x3: {  	s0 =	rddreg [dreg:$0x2]  }
0x4: {  	s5 =	srdreg.scid;
	s1 =	stileid.u32  }
0x5: {  	s2 =	simm.s32 $0x0;
	v0 =	vimm.s32 $0xFEDCBA98;
	s5 =	sand.u32 $0x1, s5;
	s6 =	sshll.u32 s1, $0x1  }
0x6: {  	v1 =	vimm.s32 $0x76543210;
	s10 =	simm.s32 $0x0;
	[smem:$0x7FF] =	sst s2;
	v2 =	vunpack.c.l.s4.s8 v0;
	s6 =	sor.u32 s5, s6  }
0x7: {  	v3 =	vunpack.c.l.s4.s8 v1;
	_ =	strace $0x80000047;
	s5 =	ssub.s32 $0x2, s5;
	s7 =	sshll.u32 s6, $0xC  }
0x8: {  	v0 =	vlaneseq.u32;
	s6 =	sshll.u32 s6, $0x9;
	s31 =	sshrl.u32 s5, $0x1;
	v4 =	vunpack.c.0.s8.s32 v2;
	s7 =	sadd.s32 s7, s3  }
0x9: {  	vm0 =	vmmov $0xff;
	v5 =	vmul.u32 $0xFFFFFFFF, v0;
	v6 =	vunpack.c.0.s8.s32 v3;
	s8 =	sadd.s32 s6, s3;
	s9 =	ssub.s32 s5, s31;
	s4 =	sadd.s32 s4, s6  }
0xa: {  	v1 =	vor.u32 $0x10, v0;
	v2 =	vor.u32 $0x20, v0;
	s3 =	sadd.s32 $0xC00, s7;
	s5 =	sadd.s32 $0x20C00, s8;
	s6 =	smax.u32 s9, $0x1;
	v7 =	vand.u32 $0xF, v4  }
0xb: {  	v3 =	vor.u32 $0x30, v0;
	s7 =	simm.s32 $0x1;
	v4 =	vadd.s32 $0xF, v5;
	s8 =	simm.s32 $0x8000;
	s9 =	simm.s32 $0x9000;
	v5 =	vcombine.low v7, v6  }
.LBB2_1:
0xc: {  	[tilespmem:s2], [sflag:$0x1] =	stream.linear.gather [hbm4b:s3+s2], $0x8000, $0x38;
	[tilespmem:$0xA000] =	vst v63  }
0xd: {  	_ =	swait.ge [sflag:s7], $0x8000  }
0xe: {  	[sflag:s7] =	ssyncset.done $0x0  }
0xf: {  	s11 =	simm.s32 $0x40;
	[sflag:s7] =	ssyncadd.s32 $0xFFFF8000  }
0x10: {  	v6 =	vld [tilespmem:s11+$0x20]  }
0x11: {  	v7 =	vld [tilespmem:s11+$0x30];
	_ =	sdelay $0x3  }
0x12: {  	(xrf1) =	vsort.dscd.msk.f32 $0xffff, v6, v2  }
0x13: {  	(xrf1) =	vsort.dscd.msk.f32 $0xffff, v7, v3;
	_ =	sdelay $0x3  }
0x14: {  	v8 =	vld [tilespmem:s11+$0xFFFFFFF0]  }
0x15: {  	v9 =	vld [tilespmem:s11+$0x10]  }
0x16: {  	v10 =	vld [tilespmem:s11+$0xFFFFFFE0]  }
0x17: {  	v11 =	vld [tilespmem:s11+$0xFFFFFFD0];
	_ =	sdelay $0x1  }
0x18: {  	v6 =	vld [tilespmem:s11+$0x0];
	(xrf1) =	vsort.dscd.msk.f32 $0xffff, v8, v3  }
0x19: {  	v7 =	vld [tilespmem:s11+$0xFFFFFFC0];
	(xrf1) =	vsort.dscd.msk.f32 $0xffff, v9, v1  }
0x1a: {  	(xrf1) =	vsort.dscd.msk.f32 $0xffff, v10, v2  }
0x1b: {  	(xrf1) =	vsort.dscd.msk.f32 $0xffff, v11, v1  }
0x1c: {  	v8, v9, _ =	vpop (xrf1)  }
0x1d: {  	v10, v11, _ =	vpop (xrf1);
	(xrf1) =	vsort.dscd.msk.f32 $0xffff, v6, v0  }
0x1e: {  	(xrf1) =	vsort.dscd.msk.f32 $0xffff, v7, v0;
	_ =	sdelay $0x4  }
0x1f: {  	v10 =	vperm.xlane v10, v4  }
0x20: {  	v11 =	vperm.xlane v11, v4;
	_ =	sdelay $0x1  }
0x21: {  	v6, v12, _ =	vpop (xrf1)  }
0x22: {  	v13 =	vperm.xlane v6, v4;
	v7 =	vperm.xlane v12, v4;
	v6, v12, _ =	vpop (xrf1)  }
0x23: {  	v6 =	vperm.xlane v6, v4;
	v14 =	vsel vm0, v8, v10;
	v15 =	vsel vm0, v9, v11;
	v8, v10, _ =	vpop (xrf1)  }
0x24: {  	s13 =	simm.s32 $0x40;
	s12 =	simm.s32 $0x0;
	v9 =	vperm.xlane v12, v4;
	(xrf1) =	vsort.dscd.msk.f32 $0xffff, v14, v15;
	v8 =	vsel vm0, v8, v13;
	v12, v11, _ =	vpop (xrf1)  }
.LBB2_2:
0x25: {  	p0 =	sne.s32 s13, $0x3FC0  }
0x26: {  	v12 =	vperm.xlane v12, v4;
	v11 =	vperm.xlane v11, v4;
	v7 =	vsel vm0, v10, v7;
	s11 =	sadd.s32 $0x80, s11;
	v10, v13, _ =	vpop (xrf1);
	s14 =	smov.u32 s13;
	s13 =	sadd.s32 $0x40, s13  }
0x27: {  	v6 =	vsel vm0, v10, v6;
	v9 =	vsel vm0, v13, v9;
	v10, v13, _ =	vpop (xrf1);
	(xrf1) =	vsort.dscd.msk.f32 $0xffff, v8, v7  }
0x28: {  	v7 =	vsel vm0, v10, v12;
	v8 =	vsel vm0, v13, v11;
	(xrf1) =	vsort.dscd.msk.f32 $0xffff, v6, v9  }
0x29: {  	(xrf1) =	vsort.dscd.msk.f32 $0xffff, v7, v8;
	_ =	sdelay $0x9  }
0x2a: {  	v6, v7, _ =	vpop (xrf1);
	_ =	sdelay $0x1  }
0x2b: {  	v6 =	vperm.xlane v6, v4;
	v7 =	vperm.xlane v7, v4;
	v8, v9, _ =	vpop (xrf1)  }
0x2c: {  	v8 =	vperm.xlane v8, v4;
	v9 =	vperm.xlane v9, v4;
	v10, v11, _ =	vpop (xrf1)  }
0x2d: {  	v6 =	vsel vm0, v10, v6;
	v7 =	vsel vm0, v11, v7;
	v10, v11, _ =	vpop (xrf1)  }
0x2e: {  	v8 =	vsel vm0, v10, v8;
	v9 =	vsel vm0, v11, v9;
	(xrf1) =	vsort.dscd.msk.f32 $0xffff, v6, v7;
	_ =	sdelay $0x1  }
0x2f: {  	(xrf1) =	vsort.dscd.msk.f32 $0xffff, v8, v9;
	_ =	sdelay $0xb  }
0x30: {  	v6, v7, _ =	vpop (xrf1)  }
0x31: {  	v6 =	vperm.xlane v6, v5;
	v7 =	vperm.xlane v7, v5  }
0x32: {  	v8, v9, _ =	vpop (xrf1)  }
0x33: {  	s15 =	sshra.s32 s12, $0x2;
	s12 =	smov.u32 s14;
	v6 =	vsel vm0, v8, v6;
	v7 =	vsel vm0, v9, v7  }
0x34: {  	[tilespmem:s15+$0x8000] =	vst v6  }
0x35: {  	[tilespmem:s15+$0x9000] =	vst v7  }
0x36: {  	v6 =	vld [tilespmem:s11+$0x20]  }
0x37: {  	v7 =	vld [tilespmem:s11+$0x30]  }
0x38: {  	v8 =	vld [tilespmem:s11+$0xFFFFFFF0]  }
0x39: {  	v9 =	vld [tilespmem:s11+$0x10]  }
0x3a: {  	v10 =	vld [tilespmem:s11+$0xFFFFFFE0]  }
0x3b: {  	v11 =	vld [tilespmem:s11+$0xFFFFFFD0];
	(xrf1) =	vsort.dscd.msk.f32 $0xffff, v6, v2  }
0x3c: {  	v6 =	vld [tilespmem:s11+$0x0];
	(xrf1) =	vsort.dscd.msk.f32 $0xffff, v7, v3  }
0x3d: {  	v7 =	vld [tilespmem:s11+$0xFFFFFFC0];
	(xrf1) =	vsort.dscd.msk.f32 $0xffff, v8, v3  }
0x3e: {  	(xrf1) =	vsort.dscd.msk.f32 $0xffff, v9, v1  }
0x3f: {  	(xrf1) =	vsort.dscd.msk.f32 $0xffff, v10, v2  }
0x40: {  	(xrf1) =	vsort.dscd.msk.f32 $0xffff, v11, v1  }
0x41: {  	(xrf1) =	vsort.dscd.msk.f32 $0xffff, v6, v0  }
0x42: {  	(xrf1) =	vsort.dscd.msk.f32 $0xffff, v7, v0;
	_ =	sdelay $0x6  }
0x43: {  	v8, v9, _ =	vpop (xrf1)  }
.Ltmp0:
0x44: {  	v6, v7, _ =	vpop (xrf1);
	(pc) =	sbr.rel @p0 .LBB2_2-.Ltmp0, $4  }
0x45: {  	v16 =	vperm.xlane v6, v4;
	v18 =	vperm.xlane v7, v4;
	v6, v7, _ =	vpop (xrf1)  }
0x46: {  	v17 =	vperm.xlane v6, v4;
	v7 =	vperm.xlane v7, v4;
	v6, v13, _ =	vpop (xrf1)  }
0x47: {  	v6 =	vperm.xlane v6, v4;
	v14 =	vsel vm0, v8, v16;
	v15 =	vsel vm0, v9, v18;
	v8, v10, _ =	vpop (xrf1)  }
0x48: {  	v9 =	vperm.xlane v13, v4;
	v8 =	vsel vm0, v8, v17;
	v12, v11, _ =	vpop (xrf1);
	(xrf1) =	vsort.dscd.msk.f32 $0xffff, v14, v15  }
0x49: {  	v7 =	vsel vm0, v10, v7  }
0x4a: {  	v12 =	vperm.xlane v12, v4;
	v11 =	vperm.xlane v11, v4;
	v55, v13, _ =	vpop (xrf1)  }
0x4b: {  	v6 =	vsel vm0, v55, v6;
	v9 =	vsel vm0, v13, v9;
	(xrf1) =	vsort.dscd.msk.f32 $0xffff, v8, v7  }
0x4c: {  	v7, v8, _ =	vpop (xrf1);
	(xrf1) =	vsort.dscd.msk.f32 $0xffff, v6, v9  }
0x4d: {  	v6 =	vsel vm0, v7, v12;
	v7 =	vsel vm0, v8, v11  }
0x4e: {  	(xrf1) =	vsort.dscd.msk.f32 $0xffff, v6, v7;
	_ =	sdelay $0x9  }
0x4f: {  	v6, v7, _ =	vpop (xrf1)  }
0x50: {  	v6 =	vperm.xlane v6, v4;
	v7 =	vperm.xlane v7, v4;
	v57, v56, _ =	vpop (xrf1)  }
0x51: {  	v8 =	vperm.xlane v57, v4;
	v58, v59, _ =	vpop (xrf1)  }
0x52: {  	v9 =	vperm.xlane v56, v4;
	v6 =	vsel vm0, v58, v6;
	v7 =	vsel vm0, v59, v7  }
0x53: {  	v60, v61, _ =	vpop (xrf1);
	(xrf1) =	vsort.dscd.msk.f32 $0xffff, v6, v7  }
0x54: {  	v6 =	vsel vm0, v60, v8;
	v7 =	vsel vm0, v61, v9  }
0x55: {  	(xrf1) =	vsort.dscd.msk.f32 $0xffff, v6, v7;
	_ =	sdelay $0xb  }
0x56: {  	v6, v7, _ =	vpop (xrf1)  }
0x57: {  	v6 =	vperm.xlane v6, v5  }
0x58: {  	v7 =	vperm.xlane v7, v5;
	v62, v63, _ =	vpop (xrf1)  }
0x59: {  	s11 =	sshra.s32 s12, $0x2;
	v6 =	vsel vm0, v62, v6  }
0x5a: {  	v7 =	vsel vm0, v63, v7;
	[tilespmem:s11+$0x8000] =	vst v6  }
0x5b: {  	[tilespmem:s11+$0x9000] =	vst v7  }
0x5c: {  	[hbm4b:s4+s2] =	stream.linear.scatter [tilespmem:s8], [sflag:$0x1], $0x1000, $0x38;
	[tilespmem:$0xA000] =	vst v63  }
0x5d: {  	s10 =	sadd.s32 $0x1, s10;
	_ =	swait.ge [sflag:s7], $0x1000  }
0x5e: {  	p0 =	sne.s32 s10, s6;
	[sflag:s7] =	ssyncset.done $0x0  }
.Ltmp1:
0x5f: {  	[sflag:s7] =	ssyncadd.s32 $0xFFFFF000;
	(pc) =	sbr.rel @p0 .LBB2_1-.Ltmp1, $4  }
0x60: {  	[hbm4b:s5+s2] =	stream.linear.scatter [tilespmem:s9], [sflag:$0x1], $0x1000, $0x38;
	[tilespmem:$0xA000] =	vst v63  }
0x61: {  	_ =	swait.ge [sflag:s7], $0x1000  }
0x62: {  	[sflag:s7] =	ssyncset.done $0x0  }
0x63: {  	[sflag:s7] =	ssyncadd.s32 $0xFFFFF000  }
0x64: {  	_ =	sfence.sel $0x180000  }
0x65: {  	[bflag:$0x0] =	sbarrier.arrive $0xFFFF  }
0x66: {  	p0 =	sne.s32 s1, $0x0;
	_ =	strace $0x90000047  }
0x67: {  	s0 =	sadd.s32 @!p0 $0x100000, s0;
	[bflag:$0x2] =	sbarrier.arrive $0xFFFF  }
0x68: {  	[sflag:s0] =	ssyncadd.tile.s32 @!p0 $0x1;
	_ =	shalt  }
.Lfunc_end2:
_tile_overlayer_lowered:
.L_overlay_start_2:
0x69: {  	(tag) =	ssettag $0x2  }
0x6a: {  	s0 =	rddreg [dreg:$0x0];
	s2 =	stileid.u32  }
0x6b: {  	s1 =	rddreg [dreg:$0x1];
	p0 =	sne.s32 s2, $0x0  }
0x6c: {  	s3 =	rddreg [dreg:$0x2];
	[bflag:$0x3] =	sbarrier.arrive $0xFFFF;
	s2 =	simm.s32 @!p0 $0x1C01  }
0x6d: {  	[timem:s3], [sflag:s2] =	dma.local @!p0 [hbm:s0], s1  }
0x6e: {  	s0 =	simm.s32 @!p0 $0x1  }
0x6f: {  	_ =	swait.ge @!p0 [sflag:s0], s1  }
0x70: {  	s1 =	ssub.s32 @!p0 $0x0, s1;
	[sflag:s0] =	ssyncset.done @!p0 $0x0  }
0x71: {  	[sflag:s0] =	ssyncadd.s32 @!p0 s1  }
0x72: {  	[bflag:$0x3] =	sbarrier.arrive $0xFFFF  }
0x73: {  	_ =	shalt  }

</sc_bundles>
